<compile_context>
chip_gen: v7x
topology: tpu7x:2x2x1
jax: 0.10.2.dev20260603
libtpu: 0.0.44.dev20260713+nightly
codegen_flags: <defaults>
</compile_context>

<pallas_src>
import functools

import jax
import jax.numpy as jnp
from jax import lax
from jax.experimental import pallas as pl
from jax.experimental.pallas import tpu as pltpu
from jax.experimental.pallas import tpu_sc as plsc


_KC = 256


def _dist_argmin_body(xt_ref, cb_ref, z_ref, acc_ref, b2_ref, rowf_ref, *,
                      inv_count):
    i = pl.program_id(0)

    @pl.when(i == 0)
    def _init():
        cb0 = cb_ref[...]
        b2_ref[...] = jnp.sum(cb0 * cb0, axis=1, keepdims=True)
        rowf_ref[...] = lax.broadcasted_iota(
            jnp.int32, rowf_ref.shape, 0).astype(jnp.float32)
        acc_ref[0, 0] = 0.0

    xtb = xt_ref[...]
    xs = xtb * -2.0
    a2 = jnp.sum(xtb * xtb, axis=0, keepdims=True)
    k = cb_ref.shape[0]
    runval = None
    runcf = None
    for c in range(k // _KC):
        cbc = cb_ref[c * _KC:(c + 1) * _KC, :]
        m = lax.dot_general(cbc, xs, (((1,), (0,)), ((), ())),
                            preferred_element_type=jnp.float32)
        d = (a2 + b2_ref[c * _KC:(c + 1) * _KC, :]) + m
        if c == 0:
            runval = d
            runcf = jnp.zeros_like(d)
        else:
            better = d < runval
            runval = jnp.where(better, d, runval)
            runcf = jnp.where(better, jnp.float32(c), runcf)
    minv = jnp.min(runval, axis=0, keepdims=True)
    kcand = runcf * jnp.float32(_KC) + rowf_ref[...]
    zf = jnp.min(jnp.where(runval == minv, kcand, jnp.float32(k)), axis=0)
    z_ref[...] = zf.astype(jnp.int32)
    acc_ref[0, 0] += jnp.sum(minv)

    @pl.when(i == pl.num_programs(0) - 1)
    def _finish():
        acc_ref[0, 0] = acc_ref[0, 0] * inv_count


def _dist_argmin(xt, codebook, block_cols):
    d, n = xt.shape
    k = codebook.shape[0]
    return pl.pallas_call(
        functools.partial(_dist_argmin_body, inv_count=1.0 / (n * d)),
        grid=(n // block_cols,),
        in_specs=[
            pl.BlockSpec((d, block_cols), lambda i: (0, i)),
            pl.BlockSpec((k, d), lambda i: (0, 0)),
        ],
        out_specs=[
            pl.BlockSpec((block_cols,), lambda i: (i,)),
            pl.BlockSpec(memory_space=pltpu.SMEM),
        ],
        out_shape=[
            jax.ShapeDtypeStruct((n,), jnp.int32),
            jax.ShapeDtypeStruct((1, 1), jnp.float32),
        ],
        scratch_shapes=[pltpu.VMEM((k, 1), jnp.float32),
                        pltpu.VMEM((_KC, 1), jnp.float32)],
    )(xt, codebook)


@functools.cache
def _make_sc_gather(v, d, b, dtype):
    info = plsc.get_sparse_core_info()
    nc, ns = info.num_cores, info.num_subcores
    nw = nc * ns
    b_per_w = b // nw
    mesh = plsc.VectorSubcoreMesh(core_axis_name="c", subcore_axis_name="s")

    nchunk = 2
    cs = b_per_w // nchunk

    @functools.partial(
        pl.kernel, mesh=mesh,
        compiler_params=pltpu.CompilerParams(use_tc_tiling_on_sc=False),
        out_type=jax.ShapeDtypeStruct((b, d), dtype),
        scratch_types=(
            [pltpu.VMEM((cs,), jnp.int32)] * nchunk
            + [pltpu.VMEM((cs, d), dtype)] * nchunk
            + [pltpu.SemaphoreType.DMA] * (2 * nchunk)
        ),
    )
    def gather(table_hbm, idx_hbm, out_hbm, *scratch):
        idxs = scratch[:nchunk]
        rows = scratch[nchunk:2 * nchunk]
        sgs = scratch[2 * nchunk:3 * nchunk]
        sws = scratch[3 * nchunk:]
        wid = lax.axis_index("s") * nc + lax.axis_index("c")
        base = wid * b_per_w
        gs = []
        for j in range(nchunk):
            pltpu.sync_copy(idx_hbm.at[pl.ds(base + j * cs, cs)], idxs[j])
            gs.append(pltpu.async_copy(table_hbm.at[idxs[j]], rows[j], sgs[j]))
        ws = []
        for j in range(nchunk):
            gs[j].wait()
            ws.append(pltpu.async_copy(
                rows[j], out_hbm.at[pl.ds(base + j * cs, cs)], sws[j]))
        for w in ws:
            w.wait()

    return gather


def kernel(x, codebook):
    n, d = x.shape
    k = codebook.shape[0]
    z, acc = _dist_argmin(x.T, codebook, 2048)
    q = _make_sc_gather(k, d, n, codebook.dtype)(codebook, z)
    loss = acc[0, 0]
    return (z, q, loss, loss)

# --- scband reference (transcript-rebuilt; emitter-appended) ---
"""Pipeline reference for scband-vqvae-37357625541276 (READ-ONLY COPY).

The authoritative reference and input builder live on the scoring server;
editing this copy changes nothing except your own understanding.
"""

import jax, jax.numpy as jnp
import numpy as np

N, D = 32768, 64
K = 1024

def setup_inputs(seed: int = 0) -> dict:
    key = jax.random.key(seed)
    kx, kc = jax.random.split(key)
    x = jax.random.normal(kx, (N, D), dtype=jnp.float32)
    codebook = jax.random.uniform(kc, (K, D), dtype=jnp.float32) * 0.2 - 0.1
    return {"x": x, "codebook": codebook}

def _sq_euc_dist(a, b):
    # squared euclidean distance between each row of a [N,D] and each row of b [K,D] -> [N,K]
    a2 = jnp.sum(a * a, axis=-1, keepdims=True)          # [N,1]
    b2 = jnp.sum(b * b, axis=-1)[None, :]                # [1,K]
    ab = a @ b.T                                          # [N,K]
    return a2 + b2 - 2.0 * ab

def reference(x, codebook):
    distances = _sq_euc_dist(x, codebook)
    Z = jnp.argmin(distances, axis=-1)
    q = jnp.take(codebook, Z, axis=0)
    q_with_st = x + jax.lax.stop_gradient(q - x)
    vq_loss = jnp.mean((jax.lax.stop_gradient(q) - x) ** 2)
    commitment_loss = jnp.mean((jax.lax.stop_gradient(x) - q) ** 2)
    return (Z, q_with_st, vq_loss, commitment_loss)

if __name__ == "__main__":
    import jax
    _d = setup_inputs()
    print(jax.jit(kernel)(*tuple(_d.values())))

</pallas_src>

<mosaic_0001>
#map = affine_map<(d0, d1) -> (0, 0)>
#map1 = affine_map<(d0, d1) -> (0)>
module attributes {stable_mosaic.version = 14 : i64} {
  func.func @gather(%arg0: i32, %arg1: i32, %arg2: memref<1024x64xf32, #tpu.memory_space<hbm>>, %arg3: memref<32768xi32, #tpu.memory_space<hbm>>, %arg4: memref<32768x64xf32, #tpu.memory_space<hbm>>, %arg5: memref<512xi32, #tpu.memory_space<vmem>>, %arg6: memref<512xi32, #tpu.memory_space<vmem>>, %arg7: memref<512x64xf32, #tpu.memory_space<vmem>>, %arg8: memref<512x64xf32, #tpu.memory_space<vmem>>, %arg9: memref<!tpu.dma_semaphore, #tpu.memory_space<semaphore_mem>>, %arg10: memref<!tpu.dma_semaphore, #tpu.memory_space<semaphore_mem>>, %arg11: memref<!tpu.dma_semaphore, #tpu.memory_space<semaphore_mem>>, %arg12: memref<!tpu.dma_semaphore, #tpu.memory_space<semaphore_mem>>) attributes {dimension_semantics = [#tpu.dimension_semantics<core_parallel>, #tpu.dimension_semantics<subcore_parallel>], iteration_bounds = array<i64: 2, 16>, scalar_prefetch = 0 : i64, scratch_operands = 8 : i64, tpu.core_type = #tpu.core_type<sc_vector_subcore>, window_params = [{transform_indices = #map}, {transform_indices = #map1}, {transform_indices = #map}]} {
    %mul3A = arith.constant 2 : i32
    %mul3A_0 = arith.muli %arg1, %mul3A : i32
    %add3A = arith.addi %mul3A_0, %arg0 : i32
    %mul3A_1 = arith.constant 1024 : i32
    %mul3A_2 = arith.muli %add3A, %mul3A_1 : i32
    %add3A_3 = arith.constant 0 : i32
    %add3A_4 = arith.addi %mul3A_2, %add3A_3 : i32
    "tpu.region"() ({
      %run_scoped3A = tpu.sem_alloc : memref<!tpu.dma_semaphore, #tpu.memory_space<semaphore_mem>>
      %dma_start3A_37 = tpu.memref_slice %arg3[%add3A_4] : memref<32768xi32, #tpu.memory_space<hbm>> -> memref<512xi32, #tpu.memory_space<hbm>>
      %dma_start3A_38 = tpu.memref_slice %arg3[%add3A_4] : memref<32768xi32, #tpu.memory_space<hbm>> -> memref<512xi32, #tpu.memory_space<hbm>>
      tpu.enqueue_dma source(%dma_start3A_38 : memref<512xi32, #tpu.memory_space<hbm>>) target(%arg5 : memref<512xi32, #tpu.memory_space<vmem>>) target_semaphore(%run_scoped3A : memref<!tpu.dma_semaphore, #tpu.memory_space<semaphore_mem>>)
      %dma_wait3A_39 = tpu.memref_slice %arg3[%add3A_4] : memref<32768xi32, #tpu.memory_space<hbm>> -> memref<512xi32, #tpu.memory_space<hbm>>
      %dma_wait3A_40 = tpu.memref_slice %arg3[%add3A_4] : memref<32768xi32, #tpu.memory_space<hbm>> -> memref<512xi32, #tpu.memory_space<hbm>>
      tpu.wait_dma2 semaphore(%run_scoped3A : memref<!tpu.dma_semaphore, #tpu.memory_space<semaphore_mem>>) src(%dma_wait3A_40 : memref<512xi32, #tpu.memory_space<hbm>>) dst(%arg5 : memref<512xi32, #tpu.memory_space<vmem>>)
      tpu.yield
    }) : () -> ()
    %dma_start3A = arith.constant 0 : i32
    %dma_start3A_5 = arith.constant 0 : i32
    %dma_start3A_6 = tpu.memref_slice %arg2[%dma_start3A, %dma_start3A_5] : memref<1024x64xf32, #tpu.memory_space<hbm>> -> memref<1024x64xf32, #tpu.memory_space<hbm>>
    tpu.enqueue_indirect_dma source(%dma_start3A_6 : memref<1024x64xf32, #tpu.memory_space<hbm>>) target(%arg7 : memref<512x64xf32, #tpu.memory_space<vmem>>) offsets(%arg5 : memref<512xi32, #tpu.memory_space<vmem>>) semaphore(%arg9 : memref<!tpu.dma_semaphore, #tpu.memory_space<semaphore_mem>>)
    %add3A_7 = arith.constant 512 : i32
    %add3A_8 = arith.addi %mul3A_2, %add3A_7 : i32
    "tpu.region"() ({
      %run_scoped3A = tpu.sem_alloc : memref<!tpu.dma_semaphore, #tpu.memory_space<semaphore_mem>>
      %dma_start3A_37 = tpu.memref_slice %arg3[%add3A_8] : memref<32768xi32, #tpu.memory_space<hbm>> -> memref<512xi32, #tpu.memory_space<hbm>>
      %dma_start3A_38 = tpu.memref_slice %arg3[%add3A_8] : memref<32768xi32, #tpu.memory_space<hbm>> -> memref<512xi32, #tpu.memory_space<hbm>>
      tpu.enqueue_dma source(%dma_start3A_38 : memref<512xi32, #tpu.memory_space<hbm>>) target(%arg6 : memref<512xi32, #tpu.memory_space<vmem>>) target_semaphore(%run_scoped3A : memref<!tpu.dma_semaphore, #tpu.memory_space<semaphore_mem>>)
      %dma_wait3A_39 = tpu.memref_slice %arg3[%add3A_8] : memref<32768xi32, #tpu.memory_space<hbm>> -> memref<512xi32, #tpu.memory_space<hbm>>
      %dma_wait3A_40 = tpu.memref_slice %arg3[%add3A_8] : memref<32768xi32, #tpu.memory_space<hbm>> -> memref<512xi32, #tpu.memory_space<hbm>>
      tpu.wait_dma2 semaphore(%run_scoped3A : memref<!tpu.dma_semaphore, #tpu.memory_space<semaphore_mem>>) src(%dma_wait3A_40 : memref<512xi32, #tpu.memory_space<hbm>>) dst(%arg6 : memref<512xi32, #tpu.memory_space<vmem>>)
      tpu.yield
    }) : () -> ()
    %dma_start3A_9 = arith.constant 0 : i32
    %dma_start3A_10 = arith.constant 0 : i32
    %dma_start3A_11 = tpu.memref_slice %arg2[%dma_start3A_9, %dma_start3A_10] : memref<1024x64xf32, #tpu.memory_space<hbm>> -> memref<1024x64xf32, #tpu.memory_space<hbm>>
    tpu.enqueue_indirect_dma source(%dma_start3A_11 : memref<1024x64xf32, #tpu.memory_space<hbm>>) target(%arg8 : memref<512x64xf32, #tpu.memory_space<vmem>>) offsets(%arg6 : memref<512xi32, #tpu.memory_space<vmem>>) semaphore(%arg10 : memref<!tpu.dma_semaphore, #tpu.memory_space<semaphore_mem>>)
    %dma_wait3A = arith.constant 0 : i32
    %dma_wait3A_12 = arith.constant 0 : i32
    %dma_wait3A_13 = tpu.memref_slice %arg2[%dma_wait3A, %dma_wait3A_12] : memref<1024x64xf32, #tpu.memory_space<hbm>> -> memref<1024x64xf32, #tpu.memory_space<hbm>>
    tpu.wait_indirect_dma semaphore(%arg9 : memref<!tpu.dma_semaphore, #tpu.memory_space<semaphore_mem>>) src(%dma_wait3A_13 : memref<1024x64xf32, #tpu.memory_space<hbm>>) dst(%arg7 : memref<512x64xf32, #tpu.memory_space<vmem>>)
    %add3A_14 = arith.constant 0 : i32
    %add3A_15 = arith.addi %mul3A_2, %add3A_14 : i32
    %dma_start3A_16 = arith.constant 0 : i32
    %dma_start3A_17 = tpu.memref_slice %arg4[%add3A_15, %dma_start3A_16] : memref<32768x64xf32, #tpu.memory_space<hbm>> -> memref<512x64xf32, #tpu.memory_space<hbm>>
    %dma_start3A_18 = arith.constant 0 : i32
    %dma_start3A_19 = tpu.memref_slice %arg4[%add3A_15, %dma_start3A_18] : memref<32768x64xf32, #tpu.memory_space<hbm>> -> memref<512x64xf32, #tpu.memory_space<hbm>>
    tpu.enqueue_dma source(%arg7 : memref<512x64xf32, #tpu.memory_space<vmem>>) target(%dma_start3A_19 : memref<512x64xf32, #tpu.memory_space<hbm>>) target_semaphore(%arg11 : memref<!tpu.dma_semaphore, #tpu.memory_space<semaphore_mem>>)
    %dma_wait3A_20 = arith.constant 0 : i32
    %dma_wait3A_21 = arith.constant 0 : i32
    %dma_wait3A_22 = tpu.memref_slice %arg2[%dma_wait3A_20, %dma_wait3A_21] : memref<1024x64xf32, #tpu.memory_space<hbm>> -> memref<1024x64xf32, #tpu.memory_space<hbm>>
    tpu.wait_indirect_dma semaphore(%arg10 : memref<!tpu.dma_semaphore, #tpu.memory_space<semaphore_mem>>) src(%dma_wait3A_22 : memref<1024x64xf32, #tpu.memory_space<hbm>>) dst(%arg8 : memref<512x64xf32, #tpu.memory_space<vmem>>)
    %add3A_23 = arith.constant 512 : i32
    %add3A_24 = arith.addi %mul3A_2, %add3A_23 : i32
    %dma_start3A_25 = arith.constant 0 : i32
    %dma_start3A_26 = tpu.memref_slice %arg4[%add3A_24, %dma_start3A_25] : memref<32768x64xf32, #tpu.memory_space<hbm>> -> memref<512x64xf32, #tpu.memory_space<hbm>>
    %dma_start3A_27 = arith.constant 0 : i32
    %dma_start3A_28 = tpu.memref_slice %arg4[%add3A_24, %dma_start3A_27] : memref<32768x64xf32, #tpu.memory_space<hbm>> -> memref<512x64xf32, #tpu.memory_space<hbm>>
    tpu.enqueue_dma source(%arg8 : memref<512x64xf32, #tpu.memory_space<vmem>>) target(%dma_start3A_28 : memref<512x64xf32, #tpu.memory_space<hbm>>) target_semaphore(%arg12 : memref<!tpu.dma_semaphore, #tpu.memory_space<semaphore_mem>>)
    %dma_wait3A_29 = arith.constant 0 : i32
    %dma_wait3A_30 = tpu.memref_slice %arg4[%add3A_15, %dma_wait3A_29] : memref<32768x64xf32, #tpu.memory_space<hbm>> -> memref<512x64xf32, #tpu.memory_space<hbm>>
    %dma_wait3A_31 = arith.constant 0 : i32
    %dma_wait3A_32 = tpu.memref_slice %arg4[%add3A_15, %dma_wait3A_31] : memref<32768x64xf32, #tpu.memory_space<hbm>> -> memref<512x64xf32, #tpu.memory_space<hbm>>
    tpu.wait_dma2 semaphore(%arg11 : memref<!tpu.dma_semaphore, #tpu.memory_space<semaphore_mem>>) src(%arg7 : memref<512x64xf32, #tpu.memory_space<vmem>>) dst(%dma_wait3A_32 : memref<512x64xf32, #tpu.memory_space<hbm>>)
    %dma_wait3A_33 = arith.constant 0 : i32
    %dma_wait3A_34 = tpu.memref_slice %arg4[%add3A_24, %dma_wait3A_33] : memref<32768x64xf32, #tpu.memory_space<hbm>> -> memref<512x64xf32, #tpu.memory_space<hbm>>
    %dma_wait3A_35 = arith.constant 0 : i32
    %dma_wait3A_36 = tpu.memref_slice %arg4[%add3A_24, %dma_wait3A_35] : memref<32768x64xf32, #tpu.memory_space<hbm>> -> memref<512x64xf32, #tpu.memory_space<hbm>>
    tpu.wait_dma2 semaphore(%arg12 : memref<!tpu.dma_semaphore, #tpu.memory_space<semaphore_mem>>) src(%arg8 : memref<512x64xf32, #tpu.memory_space<vmem>>) dst(%dma_wait3A_36 : memref<512x64xf32, #tpu.memory_space<hbm>>)
    return
  }
}

module attributes {stable_mosaic.version = 14 : i64} {
  func.func @_dist_argmin_body(%arg0: i32, %arg1: memref<64x2048xf32, #tpu.memory_space<vmem>>, %arg2: memref<1024x64xf32, #tpu.memory_space<vmem>>, %arg3: memref<2048xi32, #tpu.memory_space<vmem>>, %arg4: memref<1x1xf32, #tpu.memory_space<smem>>, %arg5: memref<1024x1xf32, #tpu.memory_space<vmem>>, %arg6: memref<256x1xf32, #tpu.memory_space<vmem>>) attributes {dimension_semantics = [#tpu.dimension_semantics<arbitrary>], iteration_bounds = array<i64: 16>, scalar_prefetch = 0 : i64, scratch_operands = 2 : i64, tpu.core_type = #tpu.core_type<tc>, window_params = [{transform_indices = @transform_0, window_bounds = array<i64: 64, 2048>}, {pipeline_mode = #tpu.pipeline_mode<synchronous>, transform_indices = @transform_1, window_bounds = array<i64: 1024, 64>}, {transform_indices = @transform_2, window_bounds = array<i64: 2048>}, {transform_indices = @transform_3, window_bounds = array<i64: 1, 1>}]} {
    %eq3A = arith.constant 0 : i32
    %eq3A_0 = arith.cmpi eq, %arg0, %eq3A : i32
    %convert_element_type3A = arith.extui %eq3A_0 : i1 to i32
    %cond3A = arith.constant 0 : i32
    %cond3A_1 = arith.cmpi ne, %convert_element_type3A, %cond3A : i32
    scf.if %cond3A_1 {
      %get3A_104 = arith.constant 0 : index
      %get3A_105 = arith.constant 0 : index
      %get3A_106 = vector.load %arg2[%get3A_104, %get3A_105] : memref<1024x64xf32, #tpu.memory_space<vmem>>, vector<1024x64xf32>
      %mul3A_107 = arith.mulf %get3A_106, %get3A_106 : vector<1024x64xf32>
      %reduce_sum3A_108 = arith.constant dense<0.000000e+00> : vector<1024xf32>
      %reduce_sum3A_109 = vector.multi_reduction <add>, %mul3A_107, %reduce_sum3A_108 [1] : vector<1024x64xf32> to vector<1024xf32>
      %broadcast_in_dim3A_110 = vector.shape_cast %reduce_sum3A_109 : vector<1024xf32> to vector<1024x1xf32>
      %swap3A_111 = arith.constant 0 : index
      %swap3A_112 = arith.constant 0 : index
      %swap3A_113 = vector.load %arg5[%swap3A_111, %swap3A_112] : memref<1024x1xf32, #tpu.memory_space<vmem>>, vector<1024x1xf32>
      tpu.vector_store %arg5[%swap3A_111, %swap3A_112], %broadcast_in_dim3A_110 {strides = array<i32>} : memref<1024x1xf32, #tpu.memory_space<vmem>>, vector<1024x1xf32>,
      %iota3A = tpu.iota {dimensions = array<i32: 0>} : vector<256x1xi32>
      %convert_element_type3A_114 = arith.sitofp %iota3A : vector<256x1xi32> to vector<256x1xf32>
      %swap3A_115 = arith.constant 0 : index
      %swap3A_116 = arith.constant 0 : index
      %swap3A_117 = vector.load %arg6[%swap3A_115, %swap3A_116] : memref<256x1xf32, #tpu.memory_space<vmem>>, vector<256x1xf32>
      tpu.vector_store %arg6[%swap3A_115, %swap3A_116], %convert_element_type3A_114 {strides = array<i32>} : memref<256x1xf32, #tpu.memory_space<vmem>>, vector<256x1xf32>,
      %swap3A_118 = arith.constant 0.000000e+00 : f32
      %swap3A_119 = arith.constant 0 : index
      %swap3A_120 = arith.constant 0 : index
      %swap3A_121 = memref.load %arg4[%swap3A_119, %swap3A_120] : memref<1x1xf32, #tpu.memory_space<smem>>
      memref.store %swap3A_118, %arg4[%swap3A_119, %swap3A_120] : memref<1x1xf32, #tpu.memory_space<smem>>
    } else {
    }
    %get3A = arith.constant 0 : index
    %get3A_2 = arith.constant 0 : index
    %get3A_3 = vector.load %arg1[%get3A, %get3A_2] : memref<64x2048xf32, #tpu.memory_space<vmem>>, vector<64x2048xf32>
    %mul3A = arith.constant -2.000000e+00 : f32
    %mul3A_4 = vector.broadcast %mul3A : f32 to vector<64x2048xf32>
    %mul3A_5 = arith.mulf %get3A_3, %mul3A_4 : vector<64x2048xf32>
    %mul3A_6 = arith.mulf %get3A_3, %get3A_3 : vector<64x2048xf32>
    %reduce_sum3A = arith.constant dense<0.000000e+00> : vector<2048xf32>
    %reduce_sum3A_7 = vector.multi_reduction <add>, %mul3A_6, %reduce_sum3A [0] : vector<64x2048xf32> to vector<2048xf32>
    %broadcast_in_dim3A = vector.shape_cast %reduce_sum3A_7 : vector<2048xf32> to vector<1x2048xf32>
    %get3A_8 = arith.constant 0 : index
    %get3A_9 = arith.constant 0 : index
    %get3A_10 = vector.load %arg2[%get3A_8, %get3A_9] : memref<1024x64xf32, #tpu.memory_space<vmem>>, vector<256x64xf32>
    %dot_general3A = arith.constant dense<0.000000e+00> : vector<256x2048xf32>
    %dot_general3A_11 = tpu.matmul %get3A_10, %mul3A_5, %dot_general3A {dimension_numbers = #tpu.dot_dimension_numbers<[1], [0], [0], [1], [0, 0, 1, 1], [], []>, transpose_lhs_hint = false} : vector<256x64xf32>, vector<64x2048xf32>, vector<256x2048xf32> -> vector<256x2048xf32>
    %get3A_12 = arith.constant 0 : index
    %get3A_13 = arith.constant 0 : index
    %get3A_14 = vector.load %arg5[%get3A_12, %get3A_13] : memref<1024x1xf32, #tpu.memory_space<vmem>>, vector<256x1xf32>
    %add3A = vector.broadcast %broadcast_in_dim3A : vector<1x2048xf32> to vector<256x2048xf32>
    %add3A_15 = vector.broadcast %get3A_14 : vector<256x1xf32> to vector<256x2048xf32>
    %add3A_16 = arith.addf %add3A, %add3A_15 : vector<256x2048xf32>
    %add3A_17 = arith.addf %add3A_16, %dot_general3A_11 : vector<256x2048xf32>
    %broadcast_in_dim3A_18 = arith.constant 0.000000e+00 : f32
    %broadcast_in_dim3A_19 = vector.broadcast %broadcast_in_dim3A_18 : f32 to vector<256x2048xf32>
    %get3A_20 = arith.constant 256 : index
    %get3A_21 = arith.constant 0 : index
    %get3A_22 = vector.load %arg2[%get3A_20, %get3A_21] : memref<1024x64xf32, #tpu.memory_space<vmem>>, vector<256x64xf32>
    %dot_general3A_23 = arith.constant dense<0.000000e+00> : vector<256x2048xf32>
    %dot_general3A_24 = tpu.matmul %get3A_22, %mul3A_5, %dot_general3A_23 {dimension_numbers = #tpu.dot_dimension_numbers<[1], [0], [0], [1], [0, 0, 1, 1], [], []>, transpose_lhs_hint = false} : vector<256x64xf32>, vector<64x2048xf32>, vector<256x2048xf32> -> vector<256x2048xf32>
    %get3A_25 = arith.constant 256 : index
    %get3A_26 = arith.constant 0 : index
    %get3A_27 = vector.load %arg5[%get3A_25, %get3A_26] : memref<1024x1xf32, #tpu.memory_space<vmem>>, vector<256x1xf32>
    %add3A_28 = vector.broadcast %broadcast_in_dim3A : vector<1x2048xf32> to vector<256x2048xf32>
    %add3A_29 = vector.broadcast %get3A_27 : vector<256x1xf32> to vector<256x2048xf32>
    %add3A_30 = arith.addf %add3A_28, %add3A_29 : vector<256x2048xf32>
    %add3A_31 = arith.addf %add3A_30, %dot_general3A_24 : vector<256x2048xf32>
    %lt3A = arith.cmpf olt, %add3A_31, %add3A_17 : vector<256x2048xf32>
    %select_n3A = arith.select %lt3A, %add3A_31, %add3A_17 : vector<256x2048xi1>, vector<256x2048xf32>
    %jit3A = arith.constant 1.000000e+00 : f32
    %broadcast_in_dim3A_32 = vector.broadcast %jit3A : f32 to vector<256x2048xf32>
    %select_n3A_33 = arith.select %lt3A, %broadcast_in_dim3A_32, %broadcast_in_dim3A_19 : vector<256x2048xi1>, vector<256x2048xf32>
    %get3A_34 = arith.constant 512 : index
    %get3A_35 = arith.constant 0 : index
    %get3A_36 = vector.load %arg2[%get3A_34, %get3A_35] : memref<1024x64xf32, #tpu.memory_space<vmem>>, vector<256x64xf32>
    %dot_general3A_37 = arith.constant dense<0.000000e+00> : vector<256x2048xf32>
    %dot_general3A_38 = tpu.matmul %get3A_36, %mul3A_5, %dot_general3A_37 {dimension_numbers = #tpu.dot_dimension_numbers<[1], [0], [0], [1], [0, 0, 1, 1], [], []>, transpose_lhs_hint = false} : vector<256x64xf32>, vector<64x2048xf32>, vector<256x2048xf32> -> vector<256x2048xf32>
    %get3A_39 = arith.constant 512 : index
    %get3A_40 = arith.constant 0 : index
    %get3A_41 = vector.load %arg5[%get3A_39, %get3A_40] : memref<1024x1xf32, #tpu.memory_space<vmem>>, vector<256x1xf32>
    %add3A_42 = vector.broadcast %broadcast_in_dim3A : vector<1x2048xf32> to vector<256x2048xf32>
    %add3A_43 = vector.broadcast %get3A_41 : vector<256x1xf32> to vector<256x2048xf32>
    %add3A_44 = arith.addf %add3A_42, %add3A_43 : vector<256x2048xf32>
    %add3A_45 = arith.addf %add3A_44, %dot_general3A_38 : vector<256x2048xf32>
    %lt3A_46 = arith.cmpf olt, %add3A_45, %select_n3A : vector<256x2048xf32>
    %select_n3A_47 = arith.select %lt3A_46, %add3A_45, %select_n3A : vector<256x2048xi1>, vector<256x2048xf32>
    %jit3A_48 = arith.constant 2.000000e+00 : f32
    %broadcast_in_dim3A_49 = vector.broadcast %jit3A_48 : f32 to vector<256x2048xf32>
    %select_n3A_50 = arith.select %lt3A_46, %broadcast_in_dim3A_49, %select_n3A_33 : vector<256x2048xi1>, vector<256x2048xf32>
    %get3A_51 = arith.constant 768 : index
    %get3A_52 = arith.constant 0 : index
    %get3A_53 = vector.load %arg2[%get3A_51, %get3A_52] : memref<1024x64xf32, #tpu.memory_space<vmem>>, vector<256x64xf32>
    %dot_general3A_54 = arith.constant dense<0.000000e+00> : vector<256x2048xf32>
    %dot_general3A_55 = tpu.matmul %get3A_53, %mul3A_5, %dot_general3A_54 {dimension_numbers = #tpu.dot_dimension_numbers<[1], [0], [0], [1], [0, 0, 1, 1], [], []>, transpose_lhs_hint = false} : vector<256x64xf32>, vector<64x2048xf32>, vector<256x2048xf32> -> vector<256x2048xf32>
    %get3A_56 = arith.constant 768 : index
    %get3A_57 = arith.constant 0 : index
    %get3A_58 = vector.load %arg5[%get3A_56, %get3A_57] : memref<1024x1xf32, #tpu.memory_space<vmem>>, vector<256x1xf32>
    %add3A_59 = vector.broadcast %broadcast_in_dim3A : vector<1x2048xf32> to vector<256x2048xf32>
    %add3A_60 = vector.broadcast %get3A_58 : vector<256x1xf32> to vector<256x2048xf32>
    %add3A_61 = arith.addf %add3A_59, %add3A_60 : vector<256x2048xf32>
    %add3A_62 = arith.addf %add3A_61, %dot_general3A_55 : vector<256x2048xf32>
    %lt3A_63 = arith.cmpf olt, %add3A_62, %select_n3A_47 : vector<256x2048xf32>
    %select_n3A_64 = arith.select %lt3A_63, %add3A_62, %select_n3A_47 : vector<256x2048xi1>, vector<256x2048xf32>
    %jit3A_65 = arith.constant 3.000000e+00 : f32
    %broadcast_in_dim3A_66 = vector.broadcast %jit3A_65 : f32 to vector<256x2048xf32>
    %select_n3A_67 = arith.select %lt3A_63, %broadcast_in_dim3A_66, %select_n3A_50 : vector<256x2048xi1>, vector<256x2048xf32>
    %reduce_min3A = arith.constant dense<0x7F800000> : vector<2048xf32>
    %reduce_min3A_68 = vector.multi_reduction <minimumf>, %select_n3A_64, %reduce_min3A [0] : vector<256x2048xf32> to vector<2048xf32>
    %broadcast_in_dim3A_69 = vector.shape_cast %reduce_min3A_68 : vector<2048xf32> to vector<1x2048xf32>
    %mul3A_70 = arith.constant 2.560000e+02 : f32
    %mul3A_71 = vector.broadcast %mul3A_70 : f32 to vector<256x2048xf32>
    %mul3A_72 = arith.mulf %select_n3A_67, %mul3A_71 : vector<256x2048xf32>
    %get3A_73 = arith.constant 0 : index
    %get3A_74 = arith.constant 0 : index
    %get3A_75 = vector.load %arg6[%get3A_73, %get3A_74] : memref<256x1xf32, #tpu.memory_space<vmem>>, vector<256x1xf32>
    %add3A_76 = vector.broadcast %get3A_75 : vector<256x1xf32> to vector<256x2048xf32>
    %add3A_77 = arith.addf %mul3A_72, %add3A_76 : vector<256x2048xf32>
    %eq3A_78 = vector.broadcast %broadcast_in_dim3A_69 : vector<1x2048xf32> to vector<256x2048xf32>
    %eq3A_79 = arith.cmpf oeq, %select_n3A_64, %eq3A_78 : vector<256x2048xf32>
    %jit3A_80 = arith.constant 1.024000e+03 : f32
    %broadcast_in_dim3A_81 = vector.broadcast %jit3A_80 : f32 to vector<256x2048xf32>
    %select_n3A_82 = arith.select %eq3A_79, %add3A_77, %broadcast_in_dim3A_81 : vector<256x2048xi1>, vector<256x2048xf32>
    %reduce_min3A_83 = arith.constant dense<0x7F800000> : vector<2048xf32>
    %reduce_min3A_84 = vector.multi_reduction <minimumf>, %select_n3A_82, %reduce_min3A_83 [0] : vector<256x2048xf32> to vector<2048xf32>
    %convert_element_type3A_85 = arith.fptosi %reduce_min3A_84 : vector<2048xf32> to vector<2048xi32>
    %swap3A = arith.constant 0 : index
    %swap3A_86 = vector.load %arg3[%swap3A] : memref<2048xi32, #tpu.memory_space<vmem>>, vector<2048xi32>
    tpu.vector_store %arg3[%swap3A], %convert_element_type3A_85 {strides = array<i32>} : memref<2048xi32, #tpu.memory_space<vmem>>, vector<2048xi32>,
    %get3A_87 = arith.constant 0 : index
    %get3A_88 = arith.constant 0 : index
    %get3A_89 = memref.load %arg4[%get3A_87, %get3A_88] : memref<1x1xf32, #tpu.memory_space<smem>>
    %reduce_sum3A_90 = vector.shape_cast %broadcast_in_dim3A_69 : vector<1x2048xf32> to vector<1x1x2048xf32>
    %reduce_sum3A_91 = arith.constant dense<0.000000e+00> : vector<1xf32>
    %reduce_sum3A_92 = vector.multi_reduction <add>, %reduce_sum3A_90, %reduce_sum3A_91 [1, 2] : vector<1x1x2048xf32> to vector<1xf32>
    %reduce_sum3A_93 = vector.shape_cast %reduce_sum3A_92 : vector<1xf32> to vector<1x1x1xf32>
    %reduce_sum3A_94 = vector.extract %reduce_sum3A_93[0, 0, 0] : f32 from vector<1x1x1xf32>
    %add3A_95 = arith.addf %get3A_89, %reduce_sum3A_94 : f32
    %swap3A_96 = arith.constant 0 : index
    %swap3A_97 = arith.constant 0 : index
    %swap3A_98 = memref.load %arg4[%swap3A_96, %swap3A_97] : memref<1x1xf32, #tpu.memory_space<smem>>
    memref.store %add3A_95, %arg4[%swap3A_96, %swap3A_97] : memref<1x1xf32, #tpu.memory_space<smem>>
    %eq3A_99 = arith.constant 15 : i32
    %eq3A_100 = arith.cmpi eq, %arg0, %eq3A_99 : i32
    %convert_element_type3A_101 = arith.extui %eq3A_100 : i1 to i32
    %cond3A_102 = arith.constant 0 : i32
    %cond3A_103 = arith.cmpi ne, %convert_element_type3A_101, %cond3A_102 : i32
    scf.if %cond3A_103 {
      %get3A_104 = arith.constant 0 : index
      %get3A_105 = arith.constant 0 : index
      %get3A_106 = memref.load %arg4[%get3A_104, %get3A_105] : memref<1x1xf32, #tpu.memory_space<smem>>
      %mul3A_107 = arith.constant 4.76837158E-7 : f32
      %mul3A_108 = arith.mulf %get3A_106, %mul3A_107 : f32
      %swap3A_109 = arith.constant 0 : index
      %swap3A_110 = arith.constant 0 : index
      %swap3A_111 = memref.load %arg4[%swap3A_109, %swap3A_110] : memref<1x1xf32, #tpu.memory_space<smem>>
      memref.store %mul3A_108, %arg4[%swap3A_109, %swap3A_110] : memref<1x1xf32, #tpu.memory_space<smem>>
    } else {
    }
    return
  }
  func.func @transform_0(%arg0: i32) -> (i32, i32) {
    %c0_i32 = arith.constant 0 : i32
    %c0_i32_0 = arith.constant 0 : i32
    return %c0_i32, %arg0 : i32, i32
  }
  func.func @transform_1(%arg0: i32) -> (i32, i32) {
    %c0_i32 = arith.constant 0 : i32
    %c0_i32_0 = arith.constant 0 : i32
    %c0_i32_1 = arith.constant 0 : i32
    return %c0_i32, %c0_i32_0 : i32, i32
  }
  func.func @transform_2(%arg0: i32) -> i32 {
    %c0_i32 = arith.constant 0 : i32
    return %arg0 : i32
  }
  func.func @transform_3(%arg0: i32) -> (i32, i32) {
    %c0_i32 = arith.constant 0 : i32
    %c0_i32_0 = arith.constant 0 : i32
    %c0_i32_1 = arith.constant 0 : i32
    return %c0_i32, %c0_i32_0 : i32, i32
  }
}

</mosaic_0001>

<sc_bundles>
// kernel: kernel.4.cloned.1.call-start
scs
__scs_entry_jumppad:
0x0: {  	(pc) =	sbr.rel $0x88, $3  }
0x1: {  	(tag) =	ssettag $0x0;
	lr =	simm.s32 $0x1  }
0x2: {  	[smem:$0x3F9F] =	sst lr;
	_ =	strace $0xD0000000  }
0x3: {  	_ = 	snop  }
0x4: {  	_ = 	snop  }
0x5: {  	_ = 	snop  }
0x6: {  	_ = 	snop  }
0x7: {  	_ = 	snop  }
__scs_overlays_trampoline_lowered:
0x8: {  	[smem:$0x3FAE] =	sst s0  }
0x9: {  	[smem:$0x3FAF] =	sst s1  }
0xa: {  	[smem:$0x3FB0] =	sst s2  }
0xb: {  	[smem:$0x3FB1] =	sst s3  }
0xc: {  	[smem:$0x3FB2] =	sst s4  }
0xd: {  	[smem:$0x3FB3] =	sst s5  }
0xe: {  	[smem:$0x3FB4] =	sst s6  }
0xf: {  	[smem:$0x3FB5] =	sst s7  }
0x10: {  	[smem:$0x3FB6] =	sst s8  }
0x11: {  	[smem:$0x3FB7] =	sst s9;
	s0 =	simm.s32 @!p0 $0x0  }
0x12: {  	s1 =	sld [smem:$0x3F9D];
	s0 =	simm.s32 @p0 $0x1  }
0x13: {  	[smem:$0x3FB8] =	sst s0;
	s0 =	simm.s32 @!p1 $0x0  }
0x14: {  	s2 =	sld [smem:$0x3F9C];
	s0 =	simm.s32 @p1 $0x1  }
0x15: {  	[smem:$0x3FB9] =	sst s0;
	s0 =	simm.s32 @!p2 $0x0  }
0x16: {  	s3 =	sld [smem:$0x3FDB];
	s0 =	simm.s32 @p2 $0x1  }
0x17: {  	s4 =	simm.s32 $0x1BF5;
	[smem:$0x3FBB] =	sst s0  }
0x18: {  	s0 =	sld [smem:$0x3F9E];
	_ =	swait.ge [sflag:s4], $0x0  }
0x19: {  	s7 =	sld [smem:$0x3F9F]  }
0x1a: {  	s8 =	sadd.s32 $0xFFFFE003, lr  }
0x1b: {  	s9 =	sadd.s32 $0xFFFFFEF7, lr;
	s5 =	simm.s32 $0xFFFFFFFF;
	p2 =	slt.u32 s8, $0xFFFFF086  }
0x1c: {  	p1 =	slt.u32 s9, $0xF7A;
	s5 =	simm.s32 @!p2 $0x0  }
0x1d: {  	s5 =	simm.s32 @p1 $0x1;
	p0 =	seq.s32 s7, s2  }
0x1e: {  	s7 =	smul.u32 @!p0 $0xF7A, s2;
	p2 =	seq.s32 @!p0 s5, $0x0  }
0x1f: {  	s9 =	smul.u32 $0xF7A, s1;
	s8 =	simm.s32 @!p0 $0x1BF5;
	p2 =	por !p2, p0  }
0x20: {  	[sflag:s8] =	ssyncset.s32 @!p0 $0xFFFFF086;
	s6 =	sadd.s32 @!p0 s3, s7;
	s7 =	simm.s32 @!p0 $0x108  }
0x21: {  	s3 =	sadd.s32 s3, s9;
	s6 =	sadd.s32 @!p0 $0x88, s6;
	s7 =	simm.s32 @p2 $0x1082  }
0x22: {  	[simem:s7], [sflag:s8] =	dma.local @!p0 [hbm:s6], $0xF7A  }
0x23: {  	s9 =	sor.u32 $0xD0000000, s2;
	s6 =	simm.s32 $0x108;
	_ =	swait.ge @!p0 [sflag:s8], $0x0  }
0x24: {  	s3 =	sadd.s32 $0x88, s3;
	s6 =	simm.s32 @!p1 $0x1082;
	[sflag:s4] =	ssyncset.s32 $0xFFFFF086  }
0x25: {  	[simem:s6], [sflag:s4] =	dma.local [hbm:s3], $0xF7A  }
0x26: {  	[smem:$0x3F9F] =	sst s1;
	(tag) =	ssettag s2;
	_ =	strace s9  }
0x27: {  	s1 =	sld [smem:$0x3FAF]  }
0x28: {  	s2 =	sld [smem:$0x3FB0]  }
0x29: {  	s4 =	sld [smem:$0x3FB2]  }
0x2a: {  	p0 =	seq.s32 s5, $0x0;
	s5 =	sld [smem:$0x3FB3]  }
0x2b: {  	s6 =	sld [smem:$0x3FB4]  }
0x2c: {  	s7 =	sld [smem:$0x3FB5]  }
0x2d: {  	s3 =	simm.s32 $0x108;
	s8 =	sld [smem:$0x3FB6]  }
0x2e: {  	s3 =	simm.s32 @!p0 $0x1082;
	s9 =	sld [smem:$0x3FB7]  }
0x2f: {  	lr =	sadd.s32 s0, s3;
	s0 =	sld [smem:$0x3FAE]  }
0x30: {  	s3 =	sld [smem:$0x3FB1]  }
0x31: {  	[smem:$0x3FBA] =	sst s10  }
0x32: {  	s10 =	sld [smem:$0x3FB8];
	_ =	sdelay $0x3  }
0x33: {  	p0 =	seq.s32 s10, $0x1;
	s10 =	sld [smem:$0x3FBA];
	_ =	sdelay $0x3  }
0x34: {  	[smem:$0x3FBA] =	sst s10  }
0x35: {  	s10 =	sld [smem:$0x3FB9];
	_ =	sdelay $0x3  }
0x36: {  	p1 =	seq.s32 s10, $0x1;
	s10 =	sld [smem:$0x3FBA];
	_ =	sdelay $0x3  }
0x37: {  	[smem:$0x3FBA] =	sst s10  }
0x38: {  	s10 =	sld [smem:$0x3FBB]  }
0x39: {  	_ = 	snop;
	(pc) =	sbr.ind lr, $3  }
0x3a: {  	_ = 	snop  }
0x3b: {  	_ = 	snop  }
0x3c: {  	p2 =	seq.s32 s10, $0x1;
	s10 =	sld [smem:$0x3FBA]  }
0x3d: {  	_ =	shalt  }
0x3e: {  	_ =	shalt  }
0x3f: {  	_ =	shalt  }
0x40: {  	_ =	shalt  }
0x41: {  	_ =	shalt  }
0x42: {  	_ =	shalt  }
0x43: {  	_ =	shalt  }
0x44: {  	_ =	shalt  }
0x45: {  	_ =	shalt  }
0x46: {  	_ =	shalt  }
0x47: {  	_ =	shalt  }
0x48: {  	_ =	shalt  }
0x49: {  	_ =	shalt  }
0x4a: {  	_ =	shalt  }
0x4b: {  	_ =	shalt  }
0x4c: {  	_ =	shalt  }
0x4d: {  	_ =	shalt  }
0x4e: {  	_ =	shalt  }
0x4f: {  	_ =	shalt  }
0x50: {  	_ =	shalt  }
0x51: {  	_ =	shalt  }
0x52: {  	_ =	shalt  }
0x53: {  	_ =	shalt  }
0x54: {  	_ =	shalt  }
0x55: {  	_ =	shalt  }
0x56: {  	_ =	shalt  }
0x57: {  	_ =	shalt  }
0x58: {  	_ =	shalt  }
0x59: {  	_ =	shalt  }
0x5a: {  	_ =	shalt  }
0x5b: {  	_ =	shalt  }
0x5c: {  	_ =	shalt  }
0x5d: {  	_ =	shalt  }
0x5e: {  	_ =	shalt  }
0x5f: {  	_ =	shalt  }
0x60: {  	_ =	shalt  }
0x61: {  	_ =	shalt  }
0x62: {  	_ =	shalt  }
0x63: {  	_ =	shalt  }
0x64: {  	_ =	shalt  }
0x65: {  	_ =	shalt  }
0x66: {  	_ =	shalt  }
0x67: {  	_ =	shalt  }
0x68: {  	_ =	shalt  }
0x69: {  	_ =	shalt  }
0x6a: {  	_ =	shalt  }
0x6b: {  	_ =	shalt  }
0x6c: {  	_ =	shalt  }
0x6d: {  	_ =	shalt  }
0x6e: {  	_ =	shalt  }
0x6f: {  	_ =	shalt  }
0x70: {  	_ =	shalt  }
0x71: {  	_ =	shalt  }
0x72: {  	_ =	shalt  }
0x73: {  	_ =	shalt  }
0x74: {  	_ =	shalt  }
0x75: {  	_ =	shalt  }
0x76: {  	_ =	shalt  }
0x77: {  	_ =	shalt  }
0x78: {  	_ =	shalt  }
0x79: {  	_ =	shalt  }
0x7a: {  	_ =	shalt  }
0x7b: {  	_ =	shalt  }
0x7c: {  	_ =	shalt  }
0x7d: {  	_ =	shalt  }
0x7e: {  	_ =	shalt  }
0x7f: {  	_ =	shalt  }
0x80: {  	_ =	shalt  }
0x81: {  	_ =	shalt  }
0x82: {  	_ =	shalt  }
0x83: {  	_ =	shalt  }
0x84: {  	_ =	shalt  }
0x85: {  	_ =	shalt  }
0x86: {  	_ =	shalt  }
0x87: {  	_ =	shalt  }
.Lfunc_end0:
.L_simem_size_0:
called_computation_lowered:
.L_overlay_start_0:
0x88: {  	s2 =	sld [smem:$0x3FD9]  }
0x89: {  	s3 =	sld [smem:$0x3FFE];
	_ =	sdelay $0x1  }
0x8a: {  	s1 =	srdreg.scid  }
0x8b: {  	s0 =	sand.u32 $0x1, s1  }
0x8c: {  	s14 =	sshll.u32 s0, $0xA;
	s2 =	sadd.s32 s3, s2  }
0x8d: {  	s2 =	sadd.s32 s2, s14  }
0x8e: {  	[smem:$0x3FC6] =	sst s2  }
0x8f: {  	_ = 	snop  }
0x90: {  	s2 =	sld [smem:$0x3FD0];
	_ =	sdelay $0x2  }
0x91: {  	s15 =	simm.s32 $0xA;
	s4 =	simm.s32 $0x10  }
0x92: {  	[smem:s4], [sflag:s15] =	dma.local [hbm:s2], $0x1  }
0x93: {  	_ =	swait.eq [sflag:s15], $0x1  }
0x94: {  	[sflag:s15] =	ssyncset.done $0x0  }
0x95: {  	s16 =	sld [smem:$0x10];
	[sflag:s15] =	ssyncadd.s32 $0xFFFFFFFF  }
0x96: {  	s17 =	sld [smem:$0x11];
	(tm) =	ssettm $0x1  }
0x97: {  	s18 =	sld [smem:$0x3FFB];
	_ =	sdelay $0x3  }
0x98: {  	_ =	strace s18  }
0x99: {  	s4 =	sld [smem:$0x3FFC];
	_ =	sdelay $0x3  }
0x9a: {  	_ =	strace s4  }
0x9b: {  	s4 =	sld [smem:$0x3FFD];
	_ =	sdelay $0x3  }
0x9c: {  	_ =	strace s4  }
0x9d: {  	_ =	strace $0x8FFFFFFF  }
0x9e: {  	s19 =	sld [smem:$0x3FDB];
	_ =	sdelay $0x1  }
0x9f: {  	s5 =	simm.s32 $_scs_section_size  }
0xa0: {  	s6 =	simm.s32 $_size__tile_overlayer_lowered;
	s7 =	simm.s32 $_tile_overlayer_lowered  }
0xa1: {  	s22 =	simm.s32 $0x1BFF;
	s21 =	sshll.u32 s7, $0x1;
	s4 =	sadd.s32 s5, s19  }
0xa2: {  	s8 =	simm.s32 $0x0;
	s20 =	sshll.u32 s6, $0x1;
	s6 =	sadd.s32 s21, s4  }
0xa3: {  	[timem:s8], [sflag:s22] =	dma.local [hbm:s6], s20  }
0xa4: {  	_ =	swait.ge [sflag:s22], s20  }
0xa5: {  	s5 =	ssub.s32 $0x0, s20;
	[sflag:s22] =	ssyncset.done $0x0  }
0xa6: {  	[sflag:s22] =	ssyncadd.s32 s5;
	_ =	sdelay $0x1  }
0xa7: {  	s23 =	simm.s32 $0x1B8B  }
0xa8: {  	_ =	swait.ge [sflag:s23], $0x1  }
0xa9: {  	[sflag:s23] =	ssyncset.done $0x0  }
0xaa: {  	s25 =	simm.s32 $0x1B8E;
	s24 =	sld [smem:$0x3FFE];
	[sflag:s23] =	ssyncadd.s32 $0xFFFFFFFF  }
0xab: {  	s26 =	simm.s32 $execute0_lowered;
	[smem:$0x3FD2] =	sst s25  }
0xac: {  	s6 =	sshll.u32 s26, $0x1;
	_ =	strace $0x80000046;
	[dreg:$0x1] =	wrdreg $0xFFFFFFFF  }
0xad: {  	s28 =	simm.s32 $_size_execute0_lowered;
	s4 =	sadd.s32 s4, s6;
	[dreg:$0x0] =	wrdreg $0x0  }
0xae: {  	s6 =	sshll.u32 s28, $0x1;
	[dreg:$0x2] =	wrdreg s4  }
0xaf: {  	[dreg:$0x3] =	wrdreg s6  }
0xb0: {  	[dreg:$0x4] =	wrdreg $0xC0  }
0xb1: {  	_ =	task [dreg:s8], $0x5FFFF  }
0xb2: {  	[dreg:$0x1] =	wrdreg $0xFFFFFFFF  }
0xb3: {  	[dreg:$0x0] =	wrdreg $0x60  }
0xb4: {  	[dreg:$0x2] =	wrdreg s24  }
0xb5: {  	[dreg:$0x3] =	wrdreg s16  }
0xb6: {  	[dreg:$0x4] =	wrdreg s17  }
0xb7: {  	[dreg:$0x5] =	wrdreg $0x9  }
0xb8: {  	_ =	task.clear_ibuf [dreg:s8], $0x6FFFF;
	_ =	strace $0x90000046  }
0xb9: {  	s29 =	simm.s32 $0x9;
	_ =	strace $0x80000048  }
0xba: {  	_ =	swait.ge [sflag:s29], $0x1  }
0xbb: {  	[sflag:s29] =	ssyncadd.s32 $0xFFFFFFFF  }
0xbc: {  	_ =	strace $0x90000048  }
0xbd: {  	_ =	sfence  }
0xbe: {  	s30 =	sld [smem:$0x0];
	_ =	sdelay $0x2  }
0xbf: {  	s31 =	sshll.u32 s1, $0xD;
	s1 =	sshrl.u32 s1, $0x2  }
0xc0: {  	s3 =	sand.u32 $0x4000, s31;
	s1 =	sadd.s32 s1, s30  }
0xc1: {  	s0 =	sor.u32 s3, s0;
	s1 =	sshll.u32 s1, $0x11  }
0xc2: {  	s0 =	sor.u32 s1, s0  }
0xc3: {  	s0 =	sadd.s32 $0x8F2B, s0  }
0xc4: {  	[sflag:s0] =	ssyncadd.remote.s32 $0x1  }
0xc5: {  	_ =	sfence.sel $0xFFFF  }
0xc6: {  	[dreg:$0x0] =	wrdreg $0xFFFFFFFF;
	(pc) =	sbr.abs _section_cstart, $3  }
0xc7: {  	[dreg:$0x1] =	wrdreg $0xFFFFFFFF  }
0xc8: {  	_ =	task.clear_ibuf [dreg:s8], $0x2FFFF;
	_ =	strace $0x9FFFFFFF  }
0xc9: {  	(tm) =	ssettm $0x7FFFFFFF  }
tec
execute0_lowered:
.L_overlay_start_1:
0x0: {  	(tag) =	ssettag $0x1  }
0x1: {  	s5 =	rddreg [dreg:$0x0];
	s1 =	srdreg.scid  }
0x2: {  	s8 =	rddreg [dreg:$0x1];
	s0 =	stileid.u32;
	s13 =	sand.u32 $0x1, s1  }
0x3: {  	s14 =	rddreg [dreg:$0x2];
	s3 =	sshll.u32 s0, $0xB;
	s4 =	sshll.u32 s13, $0xA  }
0x4: {  	s2 =	simm.s32 $0x0;
	s1 =	rddreg [dreg:$0x3];
	s11 =	sor.u32 s4, s3  }
0x5: {  	[smem:$0x7FF] =	sst s2;
	s3 =	sshrl.u32 s11, $0x3  }
0x6: {  	_ =	strace $0x80000047;
	s4 =	simm.s32 $0x5;
	s3 =	sadd.s32 s8, s3  }
0x7: {  	[tilespmem:s2], [sflag:$0x5] =	stream.linear.gather [hbm4b:s3+s2], $0x200, $0x38;
	[tilespmem:$0x10400] =	vst v63  }
0x8: {  	s6 =	simm.s32 $0x200;
	_ =	swait.ge [sflag:s4], $0x200  }
0x9: {  	s7 =	simm.s32 $0x400;
	s15 =	sor.u32 $0x200, s11;
	[sflag:s4] =	ssyncset.done $0x0  }
0xa: {  	s5 =	sadd.s32 $0x800, s5;
	s9 =	sshrl.u32 s15, $0x3;
	[sflag:s4] =	ssyncadd.s32 $0xFFFFFE00  }
0xb: {  	[tilespmem:s7], [sflag:$0x1] =	stream.indirect.gather [hbm4b:s5+s6], $0x40, s2, s6, $0xb8;
	[tilespmem:$0x10400] =	vst v63  }
0xc: {  	s8 =	sadd.s32 s8, s9  }
0xd: {  	[tilespmem:s6], [sflag:$0x5] =	stream.linear.gather [hbm4b:s8+s2], $0x200, $0x38;
	[tilespmem:$0x10400] =	vst v63  }
0xe: {  	_ =	swait.ge [sflag:s4], $0x200  }
0xf: {  	[sflag:s4] =	ssyncset.done $0x0  }
0x10: {  	s10 =	simm.s32 $0x1;
	s9 =	simm.s32 $0x8400;
	[sflag:s4] =	ssyncadd.s32 $0xFFFFFE00  }
0x11: {  	[tilespmem:s9], [sflag:$0x2] =	stream.indirect.gather [hbm4b:s5+s6], $0x40, s6, s6, $0xb8;
	[tilespmem:$0x10400] =	vst v63  }
0x12: {  	s12 =	simm.s32 $0x2;
	_ =	swait.ge [sflag:s10], $0x8000  }
0x13: {  	s16 =	ssub.s32 $0x2, s13;
	s11 =	sshll.u32 s11, $0x3;
	[sflag:s10] =	ssyncset.done $0x0  }
0x14: {  	s31 =	sshrl.u32 s16, $0x1;
	s11 =	sadd.s32 s14, s11;
	[sflag:s10] =	ssyncadd.s32 $0xFFFF8000  }
0x15: {  	[hbm4b:s11+s2] =	stream.linear.scatter [tilespmem:s7], [sflag:$0x3], $0x8000, $0x38;
	[tilespmem:$0x10400] =	vst v63  }
0x16: {  	s30 =	sshll.u32 s15, $0x3;
	s15 =	ssub.s32 s16, s31;
	_ =	swait.ge [sflag:s12], $0x8000  }
0x17: {  	s13 =	sadd.s32 s14, s30;
	s16 =	smax.u32 s15, $0x1;
	[sflag:s12] =	ssyncset.done $0x0  }
0x18: {  	s14 =	simm.s32 $0x3;
	p0 =	sne.s32 s16, $0x1;
	[sflag:s12] =	ssyncadd.s32 $0xFFFF8000  }
0x19: {  	[hbm4b:s13+s2] =	stream.linear.scatter [tilespmem:s9], [sflag:$0x4], $0x8000, $0x38;
	[tilespmem:$0x10400] =	vst v63  }
.Ltmp0:
0x1a: {  	_ =	swait.ge [sflag:s14], $0x8000;
	(pc) =	sbr.rel @!p0 .LBB2_2-.Ltmp0, $4  }
0x1b: {  	[sflag:s14] =	ssyncset.done $0x0  }
0x1c: {  	s15 =	simm.s32 $0x4;
	[sflag:s14] =	ssyncadd.s32 $0xFFFF8000  }
0x1d: {  	_ =	swait.ge [sflag:s15], $0x8000  }
0x1e: {  	s16 =	sadd.s32 $0xFFFFFFFF, s16;
	[sflag:s15] =	ssyncset.done $0x0  }
.LBB2_1:
0x1f: {  	p0 =	sne.s32 s16, $0x1;
	s16 =	sadd.s32 $0xFFFFFFFF, s16;
	[sflag:s15] =	ssyncadd.s32 $0xFFFF8000  }
0x20: {  	[tilespmem:s2], [sflag:$0x5] =	stream.linear.gather [hbm4b:s3+s2], $0x200, $0x38;
	[tilespmem:$0x10400] =	vst v63  }
0x21: {  	_ =	swait.ge [sflag:s4], $0x200  }
0x22: {  	[sflag:s4] =	ssyncset.done $0x0  }
0x23: {  	[sflag:s4] =	ssyncadd.s32 $0xFFFFFE00  }
0x24: {  	[tilespmem:s7], [sflag:$0x1] =	stream.indirect.gather [hbm4b:s5+s6], $0x40, s2, s6, $0xb8;
	[tilespmem:$0x10400] =	vst v63  }
0x25: {  	_ = 	snop  }
0x26: {  	[tilespmem:s6], [sflag:$0x5] =	stream.linear.gather [hbm4b:s8+s2], $0x200, $0x38;
	[tilespmem:$0x10400] =	vst v63  }
0x27: {  	_ =	swait.ge [sflag:s4], $0x200  }
0x28: {  	[sflag:s4] =	ssyncset.done $0x0  }
0x29: {  	[sflag:s4] =	ssyncadd.s32 $0xFFFFFE00  }
0x2a: {  	[tilespmem:s9], [sflag:$0x2] =	stream.indirect.gather [hbm4b:s5+s6], $0x40, s6, s6, $0xb8;
	[tilespmem:$0x10400] =	vst v63  }
0x2b: {  	_ =	swait.ge [sflag:s10], $0x8000  }
0x2c: {  	[sflag:s10] =	ssyncset.done $0x0  }
0x2d: {  	[sflag:s10] =	ssyncadd.s32 $0xFFFF8000  }
0x2e: {  	[hbm4b:s11+s2] =	stream.linear.scatter [tilespmem:s7], [sflag:$0x3], $0x8000, $0x38;
	[tilespmem:$0x10400] =	vst v63  }
0x2f: {  	_ =	swait.ge [sflag:s12], $0x8000  }
0x30: {  	[sflag:s12] =	ssyncset.done $0x0  }
0x31: {  	[sflag:s12] =	ssyncadd.s32 $0xFFFF8000  }
0x32: {  	[hbm4b:s13+s2] =	stream.linear.scatter [tilespmem:s9], [sflag:$0x4], $0x8000, $0x38;
	[tilespmem:$0x10400] =	vst v63  }
.Ltmp1:
0x33: {  	_ =	swait.ge [sflag:s14], $0x8000;
	(pc) =	sbr.rel @p0 .LBB2_1-.Ltmp1, $4  }
0x34: {  	[sflag:s14] =	ssyncset.done $0x0  }
0x35: {  	[sflag:s14] =	ssyncadd.s32 $0xFFFF8000  }
0x36: {  	_ =	swait.ge [sflag:s15], $0x8000  }
0x37: {  	[sflag:s15] =	ssyncset.done $0x0  }
.LBB2_2:
0x38: {  	[sflag:s15] =	ssyncadd.s32 $0xFFFF8000  }
0x39: {  	_ =	sfence.sel $0x180000  }
0x3a: {  	[bflag:$0x0] =	sbarrier.arrive $0xFFFF  }
0x3b: {  	p0 =	sne.s32 s0, $0x0;
	_ =	strace $0x90000047  }
0x3c: {  	s0 =	sadd.s32 @!p0 $0x100000, s1;
	[bflag:$0x2] =	sbarrier.arrive $0xFFFF  }
0x3d: {  	[sflag:s0] =	ssyncadd.tile.s32 @!p0 $0x1;
	_ =	shalt  }
.Lfunc_end2:
_tile_overlayer_lowered:
.L_overlay_start_2:
0x3e: {  	(tag) =	ssettag $0x2  }
0x3f: {  	s0 =	rddreg [dreg:$0x0];
	s2 =	stileid.u32  }
0x40: {  	s1 =	rddreg [dreg:$0x1];
	p0 =	sne.s32 s2, $0x0  }
0x41: {  	s3 =	rddreg [dreg:$0x2];
	[bflag:$0x3] =	sbarrier.arrive $0xFFFF;
	s2 =	simm.s32 @!p0 $0x1C05  }
0x42: {  	[timem:s3], [sflag:s2] =	dma.local @!p0 [hbm:s0], s1  }
0x43: {  	s0 =	simm.s32 @!p0 $0x5  }
0x44: {  	_ =	swait.ge @!p0 [sflag:s0], s1  }
0x45: {  	s1 =	ssub.s32 @!p0 $0x0, s1;
	[sflag:s0] =	ssyncset.done @!p0 $0x0  }
0x46: {  	[sflag:s0] =	ssyncadd.s32 @!p0 s1  }
0x47: {  	[bflag:$0x3] =	sbarrier.arrive $0xFFFF  }
0x48: {  	_ =	shalt  }

</sc_bundles>
